<compile_context>
chip_gen: v7x
topology: tpu7x:2x2x1
jax: 0.10.2.dev20260603
libtpu: 0.0.44.dev20260713+nightly
codegen_flags: <defaults>
</compile_context>

<pallas_src>
import jax
import jax.numpy as jnp
from jax import lax
from jax.experimental import pallas as pl
from jax.experimental.pallas import tpu as pltpu
from jax.experimental.pallas import tpu_sc as plsc

_N = 100000
_D = 256
_T = 64

_NC = 2
_NS = 16
_NW = _NC * _NS
_L = 16
_NSB = 106496
_CHUNK = 3200
_LAST = _N - 31 * _CHUNK



def _sc_gather_body(nt_hbm, tbl_s_hbm, tbl_b_hbm, s_hbm, b_hbm,
                    idx_v, tbl_s, tbl_b, s_v, b_v):
    wid = lax.axis_index("s") * _NC + lax.axis_index("c")
    base = wid * _CHUNK
    pltpu.sync_copy(tbl_s_hbm, tbl_s)
    pltpu.sync_copy(tbl_b_hbm, tbl_b)

    def step(j, carry):
        off = j * (2 * _L)
        for u in range(2):
            o = off + u * _L
            iv = idx_v[pl.ds(o, _L)]
            s_v[pl.ds(o, _L)] = plsc.load_gather(tbl_s, [iv])
            b_v[pl.ds(o, _L)] = plsc.load_gather(tbl_b, [iv])
        return carry

    @pl.when(wid < _NW - 1)
    def _full():
        pltpu.sync_copy(nt_hbm.at[pl.ds(base, _CHUNK)], idx_v)
        lax.fori_loop(0, _CHUNK // (2 * _L), step, 0)
        pltpu.sync_copy(s_v, s_hbm.at[pl.ds(base, _CHUNK)])
        pltpu.sync_copy(b_v, b_hbm.at[pl.ds(base, _CHUNK)])

    @pl.when(wid == _NW - 1)
    def _tail():
        pltpu.sync_copy(nt_hbm.at[pl.ds(base, _LAST)], idx_v.at[pl.ds(0, _LAST)])
        lax.fori_loop(0, _LAST // (2 * _L), step, 0)
        pltpu.sync_copy(s_v.at[pl.ds(0, _LAST)], s_hbm.at[pl.ds(base, _LAST)])
        pltpu.sync_copy(b_v.at[pl.ds(0, _LAST)], b_hbm.at[pl.ds(base, _LAST)])


@jax.jit
def _sc_gather(nt, tbl_s, tbl_b):
    mesh = plsc.VectorSubcoreMesh(core_axis_name="c", subcore_axis_name="s")
    f = pl.kernel(
        _sc_gather_body,
        mesh=mesh,
        compiler_params=pltpu.CompilerParams(needs_layout_passes=False),
        out_type=(
            jax.ShapeDtypeStruct((_NSB,), jnp.float32),
            jax.ShapeDtypeStruct((_NSB,), jnp.float32),
        ),
        scratch_types=[
            pltpu.VMEM((_CHUNK,), jnp.int32),
            pltpu.VMEM((_T,), jnp.float32),
            pltpu.VMEM((_T,), jnp.float32),
            pltpu.VMEM((_CHUNK,), jnp.float32),
            pltpu.VMEM((_CHUNK,), jnp.float32),
        ],
    )
    return f(nt, tbl_s, tbl_b)



_BR = 10240


def _affine_body(x_ref, s_ref, b_ref, o_ref):
    base = pl.program_id(0) * _BR
    s_col = s_ref[pl.ds(base, _BR)][:, None]
    b_col = b_ref[pl.ds(base, _BR)][:, None]
    o_ref[...] = x_ref[...] * s_col + b_col


@jax.jit
def _tc_affine(x, s, b):
    return pl.pallas_call(
        _affine_body,
        grid=((_N + _BR - 1) // _BR,),
        in_specs=[
            pl.BlockSpec((_BR, _D), lambda i: (i, 0)),
            pl.BlockSpec((_NSB,), lambda i: (0,)),
            pl.BlockSpec((_NSB,), lambda i: (0,)),
        ],
        out_specs=pl.BlockSpec((_BR, _D), lambda i: (i, 0)),
        out_shape=jax.ShapeDtypeStruct((_N, _D), jnp.float32),
        compiler_params=pltpu.CompilerParams(
            dimension_semantics=("parallel",)),
    )(x, s, b)



def kernel(x, node_types, scales, shifts):
    s_full, b_full = _sc_gather(node_types, scales.reshape(_T), shifts)
    return _tc_affine(x, s_full, b_full)

# --- scband reference (transcript-rebuilt; emitter-appended) ---
"""Pipeline reference for scband-indexed-rescale-80401787781504 (READ-ONLY COPY).

The authoritative reference and input builder live on the scoring server;
editing this copy changes nothing except your own understanding.
"""

import jax, jax.numpy as jnp
import numpy as np

N = 100000  # n_nodes
D = 256     # d_feat
T = 64      # num_types


def setup_inputs(seed: int = 0) -> dict:
    key = jax.random.key(seed)
    k1, k2, k3, k4 = jax.random.split(key, 4)
    x = jax.random.normal(k1, (N, D), dtype=jnp.float32)
    node_types = jax.random.randint(k2, (N,), 0, T, dtype=jnp.int32)
    # learned params per IndexedRescale.setup(): scales (num_types, 1), shifts (num_types,)
    scales = jax.random.normal(k3, (T, 1), dtype=jnp.float32)
    shifts = jax.random.normal(k4, (T,), dtype=jnp.float32)
    return {"x": x, "node_types": node_types, "scales": scales, "shifts": shifts}


def reference(x, node_types, scales, shifts):
    # jnp.take with no axis flattens: scales (T,1) -> (T,), gather per node -> (N,)
    s = jnp.take(scales, node_types)
    b = jnp.take(shifts, node_types)
    # faithful to module: vmap over nodes of inp * scale + shift
    outs = jax.vmap(lambda inp, scale, shift: inp * scale + shift, (0, 0, 0))(x, s, b)
    return outs

if __name__ == "__main__":
    import jax
    _d = setup_inputs()
    print(jax.jit(kernel)(*tuple(_d.values())))

</pallas_src>

<mosaic_0001>
#map = affine_map<(d0, d1) -> (0)>
module attributes {stable_mosaic.version = 14 : i64} {
  func.func @_sc_gather_body(%arg0: i32, %arg1: i32, %arg2: memref<100000xi32, #tpu.memory_space<hbm>>, %arg3: memref<64xf32, #tpu.memory_space<hbm>>, %arg4: memref<64xf32, #tpu.memory_space<hbm>>, %arg5: memref<106496xf32, #tpu.memory_space<hbm>>, %arg6: memref<106496xf32, #tpu.memory_space<hbm>>, %arg7: memref<3200xi32, #tpu.memory_space<vmem>>, %arg8: memref<64xf32, #tpu.memory_space<vmem>>, %arg9: memref<64xf32, #tpu.memory_space<vmem>>, %arg10: memref<3200xf32, #tpu.memory_space<vmem>>, %arg11: memref<3200xf32, #tpu.memory_space<vmem>>) attributes {dimension_semantics = [#tpu.dimension_semantics<core_parallel>, #tpu.dimension_semantics<subcore_parallel>], iteration_bounds = array<i64: 2, 16>, scalar_prefetch = 0 : i64, scratch_operands = 5 : i64, tpu.core_type = #tpu.core_type<sc_vector_subcore>, window_params = [{transform_indices = #map}, {transform_indices = #map}, {transform_indices = #map}, {transform_indices = #map}, {transform_indices = #map}]} {
    %mul3A = arith.constant 2 : i32
    %mul3A_0 = arith.muli %arg1, %mul3A : i32
    %add3A = arith.addi %mul3A_0, %arg0 : i32
    %mul3A_1 = arith.constant 3200 : i32
    %mul3A_2 = arith.muli %add3A, %mul3A_1 : i32
    "tpu.region"() ({
      %run_scoped3A = tpu.sem_alloc : memref<!tpu.dma_semaphore, #tpu.memory_space<semaphore_mem>>
      tpu.enqueue_dma source(%arg3 : memref<64xf32, #tpu.memory_space<hbm>>) target(%arg8 : memref<64xf32, #tpu.memory_space<vmem>>) target_semaphore(%run_scoped3A : memref<!tpu.dma_semaphore, #tpu.memory_space<semaphore_mem>>)
      tpu.wait_dma2 semaphore(%run_scoped3A : memref<!tpu.dma_semaphore, #tpu.memory_space<semaphore_mem>>) src(%arg3 : memref<64xf32, #tpu.memory_space<hbm>>) dst(%arg8 : memref<64xf32, #tpu.memory_space<vmem>>)
      tpu.yield
    }) : () -> ()
    "tpu.region"() ({
      %run_scoped3A = tpu.sem_alloc : memref<!tpu.dma_semaphore, #tpu.memory_space<semaphore_mem>>
      tpu.enqueue_dma source(%arg4 : memref<64xf32, #tpu.memory_space<hbm>>) target(%arg9 : memref<64xf32, #tpu.memory_space<vmem>>) target_semaphore(%run_scoped3A : memref<!tpu.dma_semaphore, #tpu.memory_space<semaphore_mem>>)
      tpu.wait_dma2 semaphore(%run_scoped3A : memref<!tpu.dma_semaphore, #tpu.memory_space<semaphore_mem>>) src(%arg4 : memref<64xf32, #tpu.memory_space<hbm>>) dst(%arg9 : memref<64xf32, #tpu.memory_space<vmem>>)
      tpu.yield
    }) : () -> ()
    %lt3A = arith.constant 31 : i32
    %lt3A_3 = arith.cmpi slt, %add3A, %lt3A : i32
    %convert_element_type3A = arith.extui %lt3A_3 : i1 to i32
    %cond3A = arith.constant 0 : i32
    %cond3A_4 = arith.cmpi ne, %convert_element_type3A, %cond3A : i32
    scf.if %cond3A_4 {
      "tpu.region"() ({
        %run_scoped3A = tpu.sem_alloc : memref<!tpu.dma_semaphore, #tpu.memory_space<semaphore_mem>>
        %dma_start3A = tpu.memref_slice %arg2[%mul3A_2] : memref<100000xi32, #tpu.memory_space<hbm>> -> memref<3200xi32, #tpu.memory_space<hbm>>
        %dma_start3A_14 = tpu.memref_slice %arg2[%mul3A_2] : memref<100000xi32, #tpu.memory_space<hbm>> -> memref<3200xi32, #tpu.memory_space<hbm>>
        tpu.enqueue_dma source(%dma_start3A_14 : memref<3200xi32, #tpu.memory_space<hbm>>) target(%arg7 : memref<3200xi32, #tpu.memory_space<vmem>>) target_semaphore(%run_scoped3A : memref<!tpu.dma_semaphore, #tpu.memory_space<semaphore_mem>>)
        %dma_wait3A = tpu.memref_slice %arg2[%mul3A_2] : memref<100000xi32, #tpu.memory_space<hbm>> -> memref<3200xi32, #tpu.memory_space<hbm>>
        %dma_wait3A_15 = tpu.memref_slice %arg2[%mul3A_2] : memref<100000xi32, #tpu.memory_space<hbm>> -> memref<3200xi32, #tpu.memory_space<hbm>>
        tpu.wait_dma2 semaphore(%run_scoped3A : memref<!tpu.dma_semaphore, #tpu.memory_space<semaphore_mem>>) src(%dma_wait3A_15 : memref<3200xi32, #tpu.memory_space<hbm>>) dst(%arg7 : memref<3200xi32, #tpu.memory_space<vmem>>)
        tpu.yield
      }) : () -> ()
      %scan3A = arith.constant 0 : i32
      %scan3A_9 = arith.constant 0 : i32
      %scan3A_10 = arith.constant 100 : i32
      %scan3A_11 = arith.addi %scan3A_9, %scan3A_10 : i32
      %scan3A_12 = arith.constant 1 : i32
      scf.for %scan3A_14 = %scan3A_9 to %scan3A_11 step %scan3A_12  : i32 {
        %mul3A_15 = arith.constant 32 : i32
        %mul3A_16 = arith.muli %scan3A_14, %mul3A_15 : i32
        %add3A_17 = arith.constant 0 : i32
        %add3A_18 = arith.addi %mul3A_16, %add3A_17 : i32
        %get3A = arith.index_cast %add3A_18 : i32 to index
        %get3A_19 = tpu.vector_load %arg7[%get3A] {strides = array<i32>} : memref<3200xi32, #tpu.memory_space<vmem>>, vector<16xi32>,
        %gather3A = tpu.vector_load_idx %arg8[%get3A_19] : memref<64xf32, #tpu.memory_space<vmem>>[vector<16xi32>], vector<16xf32>,
        %swap3A = arith.index_cast %add3A_18 : i32 to index
        %swap3A_20 = tpu.vector_load %arg10[%swap3A] {strides = array<i32>} : memref<3200xf32, #tpu.memory_space<vmem>>, vector<16xf32>,
        tpu.vector_store %arg10[%swap3A], %gather3A {strides = array<i32>} : memref<3200xf32, #tpu.memory_space<vmem>>, vector<16xf32>,
        %gather3A_21 = tpu.vector_load_idx %arg9[%get3A_19] : memref<64xf32, #tpu.memory_space<vmem>>[vector<16xi32>], vector<16xf32>,
        %swap3A_22 = arith.index_cast %add3A_18 : i32 to index
        %swap3A_23 = tpu.vector_load %arg11[%swap3A_22] {strides = array<i32>} : memref<3200xf32, #tpu.memory_space<vmem>>, vector<16xf32>,
        tpu.vector_store %arg11[%swap3A_22], %gather3A_21 {strides = array<i32>} : memref<3200xf32, #tpu.memory_space<vmem>>, vector<16xf32>,
        %add3A_24 = arith.constant 16 : i32
        %add3A_25 = arith.addi %mul3A_16, %add3A_24 : i32
        %get3A_26 = arith.index_cast %add3A_25 : i32 to index
        %get3A_27 = tpu.vector_load %arg7[%get3A_26] {strides = array<i32>} : memref<3200xi32, #tpu.memory_space<vmem>>, vector<16xi32>,
        %gather3A_28 = tpu.vector_load_idx %arg8[%get3A_27] : memref<64xf32, #tpu.memory_space<vmem>>[vector<16xi32>], vector<16xf32>,
        %swap3A_29 = arith.index_cast %add3A_25 : i32 to index
        %swap3A_30 = tpu.vector_load %arg10[%swap3A_29] {strides = array<i32>} : memref<3200xf32, #tpu.memory_space<vmem>>, vector<16xf32>,
        tpu.vector_store %arg10[%swap3A_29], %gather3A_28 {strides = array<i32>} : memref<3200xf32, #tpu.memory_space<vmem>>, vector<16xf32>,
        %gather3A_31 = tpu.vector_load_idx %arg9[%get3A_27] : memref<64xf32, #tpu.memory_space<vmem>>[vector<16xi32>], vector<16xf32>,
        %swap3A_32 = arith.index_cast %add3A_25 : i32 to index
        %swap3A_33 = tpu.vector_load %arg11[%swap3A_32] {strides = array<i32>} : memref<3200xf32, #tpu.memory_space<vmem>>, vector<16xf32>,
        tpu.vector_store %arg11[%swap3A_32], %gather3A_31 {strides = array<i32>} : memref<3200xf32, #tpu.memory_space<vmem>>, vector<16xf32>,
      }
      %scan3A_13 = arith.constant 100 : i32
      "tpu.region"() ({
        %run_scoped3A = tpu.sem_alloc : memref<!tpu.dma_semaphore, #tpu.memory_space<semaphore_mem>>
        %dma_start3A = tpu.memref_slice %arg5[%mul3A_2] : memref<106496xf32, #tpu.memory_space<hbm>> -> memref<3200xf32, #tpu.memory_space<hbm>>
        %dma_start3A_14 = tpu.memref_slice %arg5[%mul3A_2] : memref<106496xf32, #tpu.memory_space<hbm>> -> memref<3200xf32, #tpu.memory_space<hbm>>
        tpu.enqueue_dma source(%arg10 : memref<3200xf32, #tpu.memory_space<vmem>>) target(%dma_start3A_14 : memref<3200xf32, #tpu.memory_space<hbm>>) target_semaphore(%run_scoped3A : memref<!tpu.dma_semaphore, #tpu.memory_space<semaphore_mem>>)
        %dma_wait3A = tpu.memref_slice %arg5[%mul3A_2] : memref<106496xf32, #tpu.memory_space<hbm>> -> memref<3200xf32, #tpu.memory_space<hbm>>
        %dma_wait3A_15 = tpu.memref_slice %arg5[%mul3A_2] : memref<106496xf32, #tpu.memory_space<hbm>> -> memref<3200xf32, #tpu.memory_space<hbm>>
        tpu.wait_dma2 semaphore(%run_scoped3A : memref<!tpu.dma_semaphore, #tpu.memory_space<semaphore_mem>>) src(%arg10 : memref<3200xf32, #tpu.memory_space<vmem>>) dst(%dma_wait3A_15 : memref<3200xf32, #tpu.memory_space<hbm>>)
        tpu.yield
      }) : () -> ()
      "tpu.region"() ({
        %run_scoped3A = tpu.sem_alloc : memref<!tpu.dma_semaphore, #tpu.memory_space<semaphore_mem>>
        %dma_start3A = tpu.memref_slice %arg6[%mul3A_2] : memref<106496xf32, #tpu.memory_space<hbm>> -> memref<3200xf32, #tpu.memory_space<hbm>>
        %dma_start3A_14 = tpu.memref_slice %arg6[%mul3A_2] : memref<106496xf32, #tpu.memory_space<hbm>> -> memref<3200xf32, #tpu.memory_space<hbm>>
        tpu.enqueue_dma source(%arg11 : memref<3200xf32, #tpu.memory_space<vmem>>) target(%dma_start3A_14 : memref<3200xf32, #tpu.memory_space<hbm>>) target_semaphore(%run_scoped3A : memref<!tpu.dma_semaphore, #tpu.memory_space<semaphore_mem>>)
        %dma_wait3A = tpu.memref_slice %arg6[%mul3A_2] : memref<106496xf32, #tpu.memory_space<hbm>> -> memref<3200xf32, #tpu.memory_space<hbm>>
        %dma_wait3A_15 = tpu.memref_slice %arg6[%mul3A_2] : memref<106496xf32, #tpu.memory_space<hbm>> -> memref<3200xf32, #tpu.memory_space<hbm>>
        tpu.wait_dma2 semaphore(%run_scoped3A : memref<!tpu.dma_semaphore, #tpu.memory_space<semaphore_mem>>) src(%arg11 : memref<3200xf32, #tpu.memory_space<vmem>>) dst(%dma_wait3A_15 : memref<3200xf32, #tpu.memory_space<hbm>>)
        tpu.yield
      }) : () -> ()
    } else {
    }
    %eq3A = arith.constant 31 : i32
    %eq3A_5 = arith.cmpi eq, %add3A, %eq3A : i32
    %convert_element_type3A_6 = arith.extui %eq3A_5 : i1 to i32
    %cond3A_7 = arith.constant 0 : i32
    %cond3A_8 = arith.cmpi ne, %convert_element_type3A_6, %cond3A_7 : i32
    scf.if %cond3A_8 {
      "tpu.region"() ({
        %run_scoped3A = tpu.sem_alloc : memref<!tpu.dma_semaphore, #tpu.memory_space<semaphore_mem>>
        %dma_start3A = arith.constant 0 : i32
        %dma_start3A_14 = tpu.memref_slice %arg7[%dma_start3A] : memref<3200xi32, #tpu.memory_space<vmem>> -> memref<800xi32, #tpu.memory_space<vmem>>
        %dma_start3A_15 = tpu.memref_slice %arg2[%mul3A_2] : memref<100000xi32, #tpu.memory_space<hbm>> -> memref<800xi32, #tpu.memory_space<hbm>>
        %dma_start3A_16 = arith.constant 0 : i32
        %dma_start3A_17 = tpu.memref_slice %arg7[%dma_start3A_16] : memref<3200xi32, #tpu.memory_space<vmem>> -> memref<800xi32, #tpu.memory_space<vmem>>
        %dma_start3A_18 = tpu.memref_slice %arg2[%mul3A_2] : memref<100000xi32, #tpu.memory_space<hbm>> -> memref<800xi32, #tpu.memory_space<hbm>>
        tpu.enqueue_dma source(%dma_start3A_18 : memref<800xi32, #tpu.memory_space<hbm>>) target(%dma_start3A_17 : memref<800xi32, #tpu.memory_space<vmem>>) target_semaphore(%run_scoped3A : memref<!tpu.dma_semaphore, #tpu.memory_space<semaphore_mem>>)
        %dma_wait3A = arith.constant 0 : i32
        %dma_wait3A_19 = tpu.memref_slice %arg7[%dma_wait3A] : memref<3200xi32, #tpu.memory_space<vmem>> -> memref<800xi32, #tpu.memory_space<vmem>>
        %dma_wait3A_20 = tpu.memref_slice %arg2[%mul3A_2] : memref<100000xi32, #tpu.memory_space<hbm>> -> memref<800xi32, #tpu.memory_space<hbm>>
        %dma_wait3A_21 = arith.constant 0 : i32
        %dma_wait3A_22 = tpu.memref_slice %arg7[%dma_wait3A_21] : memref<3200xi32, #tpu.memory_space<vmem>> -> memref<800xi32, #tpu.memory_space<vmem>>
        %dma_wait3A_23 = tpu.memref_slice %arg2[%mul3A_2] : memref<100000xi32, #tpu.memory_space<hbm>> -> memref<800xi32, #tpu.memory_space<hbm>>
        tpu.wait_dma2 semaphore(%run_scoped3A : memref<!tpu.dma_semaphore, #tpu.memory_space<semaphore_mem>>) src(%dma_wait3A_23 : memref<800xi32, #tpu.memory_space<hbm>>) dst(%dma_wait3A_22 : memref<800xi32, #tpu.memory_space<vmem>>)
        tpu.yield
      }) : () -> ()
      %scan3A = arith.constant 0 : i32
      %scan3A_9 = arith.constant 0 : i32
      %scan3A_10 = arith.constant 25 : i32
      %scan3A_11 = arith.addi %scan3A_9, %scan3A_10 : i32
      %scan3A_12 = arith.constant 1 : i32
      scf.for %scan3A_14 = %scan3A_9 to %scan3A_11 step %scan3A_12  : i32 {
        %mul3A_15 = arith.constant 32 : i32
        %mul3A_16 = arith.muli %scan3A_14, %mul3A_15 : i32
        %add3A_17 = arith.constant 0 : i32
        %add3A_18 = arith.addi %mul3A_16, %add3A_17 : i32
        %get3A = arith.index_cast %add3A_18 : i32 to index
        %get3A_19 = tpu.vector_load %arg7[%get3A] {strides = array<i32>} : memref<3200xi32, #tpu.memory_space<vmem>>, vector<16xi32>,
        %gather3A = tpu.vector_load_idx %arg8[%get3A_19] : memref<64xf32, #tpu.memory_space<vmem>>[vector<16xi32>], vector<16xf32>,
        %swap3A = arith.index_cast %add3A_18 : i32 to index
        %swap3A_20 = tpu.vector_load %arg10[%swap3A] {strides = array<i32>} : memref<3200xf32, #tpu.memory_space<vmem>>, vector<16xf32>,
        tpu.vector_store %arg10[%swap3A], %gather3A {strides = array<i32>} : memref<3200xf32, #tpu.memory_space<vmem>>, vector<16xf32>,
        %gather3A_21 = tpu.vector_load_idx %arg9[%get3A_19] : memref<64xf32, #tpu.memory_space<vmem>>[vector<16xi32>], vector<16xf32>,
        %swap3A_22 = arith.index_cast %add3A_18 : i32 to index
        %swap3A_23 = tpu.vector_load %arg11[%swap3A_22] {strides = array<i32>} : memref<3200xf32, #tpu.memory_space<vmem>>, vector<16xf32>,
        tpu.vector_store %arg11[%swap3A_22], %gather3A_21 {strides = array<i32>} : memref<3200xf32, #tpu.memory_space<vmem>>, vector<16xf32>,
        %add3A_24 = arith.constant 16 : i32
        %add3A_25 = arith.addi %mul3A_16, %add3A_24 : i32
        %get3A_26 = arith.index_cast %add3A_25 : i32 to index
        %get3A_27 = tpu.vector_load %arg7[%get3A_26] {strides = array<i32>} : memref<3200xi32, #tpu.memory_space<vmem>>, vector<16xi32>,
        %gather3A_28 = tpu.vector_load_idx %arg8[%get3A_27] : memref<64xf32, #tpu.memory_space<vmem>>[vector<16xi32>], vector<16xf32>,
        %swap3A_29 = arith.index_cast %add3A_25 : i32 to index
        %swap3A_30 = tpu.vector_load %arg10[%swap3A_29] {strides = array<i32>} : memref<3200xf32, #tpu.memory_space<vmem>>, vector<16xf32>,
        tpu.vector_store %arg10[%swap3A_29], %gather3A_28 {strides = array<i32>} : memref<3200xf32, #tpu.memory_space<vmem>>, vector<16xf32>,
        %gather3A_31 = tpu.vector_load_idx %arg9[%get3A_27] : memref<64xf32, #tpu.memory_space<vmem>>[vector<16xi32>], vector<16xf32>,
        %swap3A_32 = arith.index_cast %add3A_25 : i32 to index
        %swap3A_33 = tpu.vector_load %arg11[%swap3A_32] {strides = array<i32>} : memref<3200xf32, #tpu.memory_space<vmem>>, vector<16xf32>,
        tpu.vector_store %arg11[%swap3A_32], %gather3A_31 {strides = array<i32>} : memref<3200xf32, #tpu.memory_space<vmem>>, vector<16xf32>,
      }
      %scan3A_13 = arith.constant 25 : i32
      "tpu.region"() ({
        %run_scoped3A = tpu.sem_alloc : memref<!tpu.dma_semaphore, #tpu.memory_space<semaphore_mem>>
        %dma_start3A = arith.constant 0 : i32
        %dma_start3A_14 = tpu.memref_slice %arg10[%dma_start3A] : memref<3200xf32, #tpu.memory_space<vmem>> -> memref<800xf32, #tpu.memory_space<vmem>>
        %dma_start3A_15 = tpu.memref_slice %arg5[%mul3A_2] : memref<106496xf32, #tpu.memory_space<hbm>> -> memref<800xf32, #tpu.memory_space<hbm>>
        %dma_start3A_16 = tpu.memref_slice %arg5[%mul3A_2] : memref<106496xf32, #tpu.memory_space<hbm>> -> memref<800xf32, #tpu.memory_space<hbm>>
        %dma_start3A_17 = arith.constant 0 : i32
        %dma_start3A_18 = tpu.memref_slice %arg10[%dma_start3A_17] : memref<3200xf32, #tpu.memory_space<vmem>> -> memref<800xf32, #tpu.memory_space<vmem>>
        tpu.enqueue_dma source(%dma_start3A_18 : memref<800xf32, #tpu.memory_space<vmem>>) target(%dma_start3A_16 : memref<800xf32, #tpu.memory_space<hbm>>) target_semaphore(%run_scoped3A : memref<!tpu.dma_semaphore, #tpu.memory_space<semaphore_mem>>)
        %dma_wait3A = arith.constant 0 : i32
        %dma_wait3A_19 = tpu.memref_slice %arg10[%dma_wait3A] : memref<3200xf32, #tpu.memory_space<vmem>> -> memref<800xf32, #tpu.memory_space<vmem>>
        %dma_wait3A_20 = tpu.memref_slice %arg5[%mul3A_2] : memref<106496xf32, #tpu.memory_space<hbm>> -> memref<800xf32, #tpu.memory_space<hbm>>
        %dma_wait3A_21 = tpu.memref_slice %arg5[%mul3A_2] : memref<106496xf32, #tpu.memory_space<hbm>> -> memref<800xf32, #tpu.memory_space<hbm>>
        %dma_wait3A_22 = arith.constant 0 : i32
        %dma_wait3A_23 = tpu.memref_slice %arg10[%dma_wait3A_22] : memref<3200xf32, #tpu.memory_space<vmem>> -> memref<800xf32, #tpu.memory_space<vmem>>
        tpu.wait_dma2 semaphore(%run_scoped3A : memref<!tpu.dma_semaphore, #tpu.memory_space<semaphore_mem>>) src(%dma_wait3A_23 : memref<800xf32, #tpu.memory_space<vmem>>) dst(%dma_wait3A_21 : memref<800xf32, #tpu.memory_space<hbm>>)
        tpu.yield
      }) : () -> ()
      "tpu.region"() ({
        %run_scoped3A = tpu.sem_alloc : memref<!tpu.dma_semaphore, #tpu.memory_space<semaphore_mem>>
        %dma_start3A = arith.constant 0 : i32
        %dma_start3A_14 = tpu.memref_slice %arg11[%dma_start3A] : memref<3200xf32, #tpu.memory_space<vmem>> -> memref<800xf32, #tpu.memory_space<vmem>>
        %dma_start3A_15 = tpu.memref_slice %arg6[%mul3A_2] : memref<106496xf32, #tpu.memory_space<hbm>> -> memref<800xf32, #tpu.memory_space<hbm>>
        %dma_start3A_16 = tpu.memref_slice %arg6[%mul3A_2] : memref<106496xf32, #tpu.memory_space<hbm>> -> memref<800xf32, #tpu.memory_space<hbm>>
        %dma_start3A_17 = arith.constant 0 : i32
        %dma_start3A_18 = tpu.memref_slice %arg11[%dma_start3A_17] : memref<3200xf32, #tpu.memory_space<vmem>> -> memref<800xf32, #tpu.memory_space<vmem>>
        tpu.enqueue_dma source(%dma_start3A_18 : memref<800xf32, #tpu.memory_space<vmem>>) target(%dma_start3A_16 : memref<800xf32, #tpu.memory_space<hbm>>) target_semaphore(%run_scoped3A : memref<!tpu.dma_semaphore, #tpu.memory_space<semaphore_mem>>)
        %dma_wait3A = arith.constant 0 : i32
        %dma_wait3A_19 = tpu.memref_slice %arg11[%dma_wait3A] : memref<3200xf32, #tpu.memory_space<vmem>> -> memref<800xf32, #tpu.memory_space<vmem>>
        %dma_wait3A_20 = tpu.memref_slice %arg6[%mul3A_2] : memref<106496xf32, #tpu.memory_space<hbm>> -> memref<800xf32, #tpu.memory_space<hbm>>
        %dma_wait3A_21 = tpu.memref_slice %arg6[%mul3A_2] : memref<106496xf32, #tpu.memory_space<hbm>> -> memref<800xf32, #tpu.memory_space<hbm>>
        %dma_wait3A_22 = arith.constant 0 : i32
        %dma_wait3A_23 = tpu.memref_slice %arg11[%dma_wait3A_22] : memref<3200xf32, #tpu.memory_space<vmem>> -> memref<800xf32, #tpu.memory_space<vmem>>
        tpu.wait_dma2 semaphore(%run_scoped3A : memref<!tpu.dma_semaphore, #tpu.memory_space<semaphore_mem>>) src(%dma_wait3A_23 : memref<800xf32, #tpu.memory_space<vmem>>) dst(%dma_wait3A_21 : memref<800xf32, #tpu.memory_space<hbm>>)
        tpu.yield
      }) : () -> ()
    } else {
    }
    return
  }
}

</mosaic_0001>

<sc_bundles>
// kernel: _sc_gather.3.cloned.1.call-start
scs
__scs_entry_jumppad:
0x0: {  	(pc) =	sbr.rel $0x88, $3  }
0x1: {  	(tag) =	ssettag $0x0;
	lr =	simm.s32 $0x1  }
0x2: {  	[smem:$0x3F9E] =	sst lr;
	_ =	strace $0xD0000000  }
0x3: {  	_ = 	snop  }
0x4: {  	_ = 	snop  }
0x5: {  	_ = 	snop  }
0x6: {  	_ = 	snop  }
0x7: {  	_ = 	snop  }
__scs_overlays_trampoline_lowered:
0x8: {  	[smem:$0x3FAD] =	sst s0  }
0x9: {  	[smem:$0x3FAE] =	sst s1  }
0xa: {  	[smem:$0x3FAF] =	sst s2  }
0xb: {  	[smem:$0x3FB0] =	sst s3  }
0xc: {  	[smem:$0x3FB1] =	sst s4  }
0xd: {  	[smem:$0x3FB2] =	sst s5  }
0xe: {  	[smem:$0x3FB3] =	sst s6  }
0xf: {  	[smem:$0x3FB4] =	sst s7  }
0x10: {  	[smem:$0x3FB5] =	sst s8  }
0x11: {  	[smem:$0x3FB6] =	sst s9;
	s0 =	simm.s32 @!p0 $0x0  }
0x12: {  	s1 =	sld [smem:$0x3F9C];
	s0 =	simm.s32 @p0 $0x1  }
0x13: {  	[smem:$0x3FB7] =	sst s0;
	s0 =	simm.s32 @!p1 $0x0  }
0x14: {  	s2 =	sld [smem:$0x3F9B];
	s0 =	simm.s32 @p1 $0x1  }
0x15: {  	[smem:$0x3FB8] =	sst s0;
	s0 =	simm.s32 @!p2 $0x0  }
0x16: {  	s3 =	sld [smem:$0x3FDB];
	s0 =	simm.s32 @p2 $0x1  }
0x17: {  	s4 =	simm.s32 $0x1BF5;
	[smem:$0x3FBA] =	sst s0  }
0x18: {  	s0 =	sld [smem:$0x3F9D];
	_ =	swait.ge [sflag:s4], $0x0  }
0x19: {  	s7 =	sld [smem:$0x3F9E]  }
0x1a: {  	s8 =	sadd.s32 $0xFFFFE003, lr  }
0x1b: {  	s9 =	sadd.s32 $0xFFFFFEF7, lr;
	s5 =	simm.s32 $0xFFFFFFFF;
	p2 =	slt.u32 s8, $0xFFFFF086  }
0x1c: {  	p1 =	slt.u32 s9, $0xF7A;
	s5 =	simm.s32 @!p2 $0x0  }
0x1d: {  	s5 =	simm.s32 @p1 $0x1;
	p0 =	seq.s32 s7, s2  }
0x1e: {  	s7 =	smul.u32 @!p0 $0xF7A, s2;
	p2 =	seq.s32 @!p0 s5, $0x0  }
0x1f: {  	s9 =	smul.u32 $0xF7A, s1;
	s8 =	simm.s32 @!p0 $0x1BF5;
	p2 =	por !p2, p0  }
0x20: {  	[sflag:s8] =	ssyncset.s32 @!p0 $0xFFFFF086;
	s6 =	sadd.s32 @!p0 s3, s7;
	s7 =	simm.s32 @!p0 $0x108  }
0x21: {  	s3 =	sadd.s32 s3, s9;
	s6 =	sadd.s32 @!p0 $0x88, s6;
	s7 =	simm.s32 @p2 $0x1082  }
0x22: {  	[simem:s7], [sflag:s8] =	dma.local @!p0 [hbm:s6], $0xF7A  }
0x23: {  	s9 =	sor.u32 $0xD0000000, s2;
	s6 =	simm.s32 $0x108;
	_ =	swait.ge @!p0 [sflag:s8], $0x0  }
0x24: {  	s3 =	sadd.s32 $0x88, s3;
	s6 =	simm.s32 @!p1 $0x1082;
	[sflag:s4] =	ssyncset.s32 $0xFFFFF086  }
0x25: {  	[simem:s6], [sflag:s4] =	dma.local [hbm:s3], $0xF7A  }
0x26: {  	[smem:$0x3F9E] =	sst s1;
	(tag) =	ssettag s2;
	_ =	strace s9  }
0x27: {  	s1 =	sld [smem:$0x3FAE]  }
0x28: {  	s2 =	sld [smem:$0x3FAF]  }
0x29: {  	s4 =	sld [smem:$0x3FB1]  }
0x2a: {  	p0 =	seq.s32 s5, $0x0;
	s5 =	sld [smem:$0x3FB2]  }
0x2b: {  	s6 =	sld [smem:$0x3FB3]  }
0x2c: {  	s7 =	sld [smem:$0x3FB4]  }
0x2d: {  	s3 =	simm.s32 $0x108;
	s8 =	sld [smem:$0x3FB5]  }
0x2e: {  	s3 =	simm.s32 @!p0 $0x1082;
	s9 =	sld [smem:$0x3FB6]  }
0x2f: {  	lr =	sadd.s32 s0, s3;
	s0 =	sld [smem:$0x3FAD]  }
0x30: {  	s3 =	sld [smem:$0x3FB0]  }
0x31: {  	[smem:$0x3FB9] =	sst s10  }
0x32: {  	s10 =	sld [smem:$0x3FB7];
	_ =	sdelay $0x3  }
0x33: {  	p0 =	seq.s32 s10, $0x1;
	s10 =	sld [smem:$0x3FB9];
	_ =	sdelay $0x3  }
0x34: {  	[smem:$0x3FB9] =	sst s10  }
0x35: {  	s10 =	sld [smem:$0x3FB8];
	_ =	sdelay $0x3  }
0x36: {  	p1 =	seq.s32 s10, $0x1;
	s10 =	sld [smem:$0x3FB9];
	_ =	sdelay $0x3  }
0x37: {  	[smem:$0x3FB9] =	sst s10  }
0x38: {  	s10 =	sld [smem:$0x3FBA]  }
0x39: {  	_ = 	snop;
	(pc) =	sbr.ind lr, $3  }
0x3a: {  	_ = 	snop  }
0x3b: {  	_ = 	snop  }
0x3c: {  	p2 =	seq.s32 s10, $0x1;
	s10 =	sld [smem:$0x3FB9]  }
0x3d: {  	_ =	shalt  }
0x3e: {  	_ =	shalt  }
0x3f: {  	_ =	shalt  }
0x40: {  	_ =	shalt  }
0x41: {  	_ =	shalt  }
0x42: {  	_ =	shalt  }
0x43: {  	_ =	shalt  }
0x44: {  	_ =	shalt  }
0x45: {  	_ =	shalt  }
0x46: {  	_ =	shalt  }
0x47: {  	_ =	shalt  }
0x48: {  	_ =	shalt  }
0x49: {  	_ =	shalt  }
0x4a: {  	_ =	shalt  }
0x4b: {  	_ =	shalt  }
0x4c: {  	_ =	shalt  }
0x4d: {  	_ =	shalt  }
0x4e: {  	_ =	shalt  }
0x4f: {  	_ =	shalt  }
0x50: {  	_ =	shalt  }
0x51: {  	_ =	shalt  }
0x52: {  	_ =	shalt  }
0x53: {  	_ =	shalt  }
0x54: {  	_ =	shalt  }
0x55: {  	_ =	shalt  }
0x56: {  	_ =	shalt  }
0x57: {  	_ =	shalt  }
0x58: {  	_ =	shalt  }
0x59: {  	_ =	shalt  }
0x5a: {  	_ =	shalt  }
0x5b: {  	_ =	shalt  }
0x5c: {  	_ =	shalt  }
0x5d: {  	_ =	shalt  }
0x5e: {  	_ =	shalt  }
0x5f: {  	_ =	shalt  }
0x60: {  	_ =	shalt  }
0x61: {  	_ =	shalt  }
0x62: {  	_ =	shalt  }
0x63: {  	_ =	shalt  }
0x64: {  	_ =	shalt  }
0x65: {  	_ =	shalt  }
0x66: {  	_ =	shalt  }
0x67: {  	_ =	shalt  }
0x68: {  	_ =	shalt  }
0x69: {  	_ =	shalt  }
0x6a: {  	_ =	shalt  }
0x6b: {  	_ =	shalt  }
0x6c: {  	_ =	shalt  }
0x6d: {  	_ =	shalt  }
0x6e: {  	_ =	shalt  }
0x6f: {  	_ =	shalt  }
0x70: {  	_ =	shalt  }
0x71: {  	_ =	shalt  }
0x72: {  	_ =	shalt  }
0x73: {  	_ =	shalt  }
0x74: {  	_ =	shalt  }
0x75: {  	_ =	shalt  }
0x76: {  	_ =	shalt  }
0x77: {  	_ =	shalt  }
0x78: {  	_ =	shalt  }
0x79: {  	_ =	shalt  }
0x7a: {  	_ =	shalt  }
0x7b: {  	_ =	shalt  }
0x7c: {  	_ =	shalt  }
0x7d: {  	_ =	shalt  }
0x7e: {  	_ =	shalt  }
0x7f: {  	_ =	shalt  }
0x80: {  	_ =	shalt  }
0x81: {  	_ =	shalt  }
0x82: {  	_ =	shalt  }
0x83: {  	_ =	shalt  }
0x84: {  	_ =	shalt  }
0x85: {  	_ =	shalt  }
0x86: {  	_ =	shalt  }
0x87: {  	_ =	shalt  }
.Lfunc_end0:
.L_simem_size_0:
called_computation_lowered:
.L_overlay_start_0:
0x88: {  	s2 =	sld [smem:$0x3FD9]  }
0x89: {  	s3 =	sld [smem:$0x3FFE];
	_ =	sdelay $0x1  }
0x8a: {  	s1 =	srdreg.scid  }
0x8b: {  	s0 =	sand.u32 $0x1, s1  }
0x8c: {  	s15 =	sshll.u32 s0, $0xA;
	s2 =	sadd.s32 s3, s2  }
0x8d: {  	s2 =	sadd.s32 s2, s15  }
0x8e: {  	[smem:$0x3FC5] =	sst s2  }
0x8f: {  	_ = 	snop  }
0x90: {  	s2 =	sld [smem:$0x3FD0]  }
0x91: {  	s16 =	sld [smem:$0x3FC9]  }
0x92: {  	s4 =	sld [smem:$0x3FC8]  }
0x93: {  	s6 =	simm.s32 $0xA;
	s7 =	simm.s32 $0x10;
	s5 =	sld [smem:$0x3FC7]  }
0x94: {  	[smem:s7], [sflag:s6] =	dma.local [hbm:s2], $0x1  }
0x95: {  	_ =	swait.eq [sflag:s6], $0x1  }
0x96: {  	[sflag:s6] =	ssyncset.done $0x0  }
0x97: {  	s17 =	sld [smem:$0x10];
	[sflag:s6] =	ssyncadd.s32 $0xFFFFFFFF  }
0x98: {  	s18 =	sld [smem:$0x11];
	(tm) =	ssettm $0x1  }
0x99: {  	s19 =	sld [smem:$0x3FFB];
	_ =	sdelay $0x3  }
0x9a: {  	_ =	strace s19  }
0x9b: {  	s7 =	sld [smem:$0x3FFC];
	_ =	sdelay $0x3  }
0x9c: {  	_ =	strace s7  }
0x9d: {  	s7 =	sld [smem:$0x3FFD];
	_ =	sdelay $0x3  }
0x9e: {  	_ =	strace s7  }
0x9f: {  	_ =	strace $0x8FFFFFFF  }
0xa0: {  	s20 =	sld [smem:$0x3FDB];
	_ =	sdelay $0x1  }
0xa1: {  	s8 =	simm.s32 $_scs_section_size  }
0xa2: {  	s9 =	simm.s32 $_size__tile_overlayer_lowered;
	s10 =	simm.s32 $_tile_overlayer_lowered  }
0xa3: {  	s23 =	simm.s32 $0x1BFF;
	s22 =	sshll.u32 s10, $0x1;
	s7 =	sadd.s32 s8, s20  }
0xa4: {  	s11 =	simm.s32 $0x0;
	s21 =	sshll.u32 s9, $0x1;
	s9 =	sadd.s32 s22, s7  }
0xa5: {  	[timem:s11], [sflag:s23] =	dma.local [hbm:s9], s21  }
0xa6: {  	_ =	swait.ge [sflag:s23], s21  }
0xa7: {  	s8 =	ssub.s32 $0x0, s21;
	[sflag:s23] =	ssyncset.done $0x0  }
0xa8: {  	[sflag:s23] =	ssyncadd.s32 s8;
	_ =	sdelay $0x1  }
0xa9: {  	s24 =	simm.s32 $0x1B8B  }
0xaa: {  	_ =	swait.ge [sflag:s24], $0x1  }
0xab: {  	[sflag:s24] =	ssyncset.done $0x0  }
0xac: {  	s25 =	simm.s32 $0x1B8E;
	[sflag:s24] =	ssyncadd.s32 $0xFFFFFFFF  }
0xad: {  	s26 =	simm.s32 $execute0_lowered;
	[smem:$0x3FD2] =	sst s25  }
0xae: {  	s8 =	sshll.u32 s26, $0x1;
	_ =	strace $0x80000046;
	[dreg:$0x1] =	wrdreg $0xFFFFFFFF  }
0xaf: {  	s28 =	simm.s32 $_size_execute0_lowered;
	s7 =	sadd.s32 s7, s8;
	[dreg:$0x0] =	wrdreg $0x0  }
0xb0: {  	s8 =	sshll.u32 s28, $0x1;
	[dreg:$0x2] =	wrdreg s7  }
0xb1: {  	[dreg:$0x3] =	wrdreg s8  }
0xb2: {  	[dreg:$0x4] =	wrdreg $0xC0  }
0xb3: {  	_ =	task [dreg:s11], $0x5FFFF  }
0xb4: {  	[dreg:$0x1] =	wrdreg $0xFFFFFFFF  }
0xb5: {  	[dreg:$0x0] =	wrdreg $0x60  }
0xb6: {  	[dreg:$0x2] =	wrdreg s16  }
0xb7: {  	[dreg:$0x3] =	wrdreg s4  }
0xb8: {  	[dreg:$0x4] =	wrdreg s5  }
0xb9: {  	[dreg:$0x5] =	wrdreg s17  }
0xba: {  	[dreg:$0x6] =	wrdreg s18  }
0xbb: {  	[dreg:$0x7] =	wrdreg $0x9  }
0xbc: {  	_ =	task.clear_ibuf [dreg:s11], $0x8FFFF;
	_ =	strace $0x90000046  }
0xbd: {  	s29 =	simm.s32 $0x9;
	_ =	strace $0x80000048  }
0xbe: {  	_ =	swait.ge [sflag:s29], $0x1  }
0xbf: {  	[sflag:s29] =	ssyncadd.s32 $0xFFFFFFFF  }
0xc0: {  	_ =	strace $0x90000048  }
0xc1: {  	_ =	sfence  }
0xc2: {  	s30 =	sld [smem:$0x0];
	_ =	sdelay $0x2  }
0xc3: {  	s31 =	sshll.u32 s1, $0xD;
	s1 =	sshrl.u32 s1, $0x2  }
0xc4: {  	s3 =	sand.u32 $0x4000, s31;
	s1 =	sadd.s32 s1, s30  }
0xc5: {  	s0 =	sor.u32 s3, s0;
	s1 =	sshll.u32 s1, $0x11  }
0xc6: {  	s0 =	sor.u32 s1, s0  }
0xc7: {  	s0 =	sadd.s32 $0x8F2B, s0  }
0xc8: {  	[sflag:s0] =	ssyncadd.remote.s32 $0x1  }
0xc9: {  	_ =	sfence.sel $0xFFFF  }
0xca: {  	[dreg:$0x0] =	wrdreg $0xFFFFFFFF;
	(pc) =	sbr.abs _section_cstart, $3  }
0xcb: {  	[dreg:$0x1] =	wrdreg $0xFFFFFFFF  }
0xcc: {  	_ =	task.clear_ibuf [dreg:s11], $0x2FFFF;
	_ =	strace $0x9FFFFFFF  }
0xcd: {  	(tm) =	ssettm $0x7FFFFFFF  }
tec
execute0_lowered:
.L_overlay_start_1:
0x0: {  	(tag) =	ssettag $0x1  }
0x1: {  	s8 =	rddreg [dreg:$0x0]  }
0x2: {  	s1 =	rddreg [dreg:$0x1]  }
0x3: {  	s2 =	rddreg [dreg:$0x2]  }
0x4: {  	s9 =	rddreg [dreg:$0x3]  }
0x5: {  	s3 =	srdreg.scid;
	s0 =	stileid.u32  }
0x6: {  	s10 =	rddreg [dreg:$0x4];
	s4 =	simm.s32 $0x0;
	s13 =	simm.s32 $0x1  }
0x7: {  	s14 =	simm.s32 $0xD00;
	s5 =	sand.u32 $0x1, s3;
	s6 =	sshll.u32 s0, $0x1  }
0x8: {  	s15 =	simm.s32 $0xD80;
	s16 =	simm.s32 $0x1A00;
	s12 =	sor.u32 s5, s6  }
0x9: {  	s17 =	simm.s32 $0x0;
	s3 =	rddreg [dreg:$0x5];
	s7 =	smul.u32 $0x190, s12  }
.Ltmp0:
0xa: {  	[smem:$0x7FF] =	sst s4;
	s5 =	ssub.s32 $0x2, s5;
	(pc) =	sbr.rel .LBB2_1-.Ltmp0, $4  }
0xb: {  	_ =	strace $0x80000047;
	s31 =	sshrl.u32 s5, $0x1;
	p0 =	seq.s32 s12, $0x1F  }
0xc: {  	s12 =	simm.s32 $0xC80;
	s11 =	ssub.s32 s5, s31;
	s5 =	sadd.s32 s8, s7  }
0xd: {  	s6 =	sadd.s32 s9, s7;
	s7 =	sadd.s32 s10, s7;
	s8 =	sadd.s32 $0x3070, s8  }
0xe: {  	s9 =	sadd.s32 $0x3070, s9;
	s10 =	sadd.s32 $0x3070, s10;
	s11 =	smax.u32 s11, $0x1  }
.LBB2_7:
0xf: {  	_ =	sdelay $0x1  }
0x10: {  	v2 =	vld [tilespmem:s20+$0x0]  }
0x11: {  	[tilespmem:s18+$0xD90] =	vst v1  }
0x12: {  	v0 =	vld.idx.msk [tilespmem:v0+s14+$0x0], $0xffff;
	_ =	sdelay $0x4  }
0x13: {  	[tilespmem:s18+$0x1A10] =	vst v0  }
0x14: {  	v0 =	vld.idx.msk [tilespmem:v2+s12+$0x0], $0xffff;
	_ =	sdelay $0x3  }
0x15: {  	v63 =	vld [tilespmem:s20+$0x10]  }
0x16: {  	[tilespmem:s20+$0xD80] =	vst v0  }
0x17: {  	v1 =	vld.idx.msk [tilespmem:v2+s14+$0x0], $0xffff;
	_ =	sdelay $0x4  }
0x18: {  	[tilespmem:s20+$0x1A00] =	vst v1  }
0x19: {  	v1 =	vld.idx.msk [tilespmem:v63+s12+$0x0], $0xffff;
	_ =	sdelay $0x4  }
0x1a: {  	[tilespmem:s20+$0xD90] =	vst v1  }
0x1b: {  	v0 =	vld.idx.msk [tilespmem:v63+s14+$0x0], $0xffff;
	_ =	sdelay $0x4  }
0x1c: {  	[tilespmem:s20+$0x1A10] =	vst v0  }
0x1d: {  	[hbm4b:s9+s4] =	stream.linear.scatter [tilespmem:s15], [sflag:$0x1], $0x320, $0x38;
	[tilespmem:$0x2680] =	vst v63  }
0x1e: {  	_ =	swait.ge [sflag:s13], $0x320  }
0x1f: {  	[sflag:s13] =	ssyncset.done $0x0  }
0x20: {  	[sflag:s13] =	ssyncadd.s32 $0xFFFFFCE0  }
0x21: {  	[hbm4b:s10+s4] =	stream.linear.scatter [tilespmem:s16], [sflag:$0x1], $0x320, $0x38;
	[tilespmem:$0x2680] =	vst v63  }
0x22: {  	_ =	swait.ge [sflag:s13], $0x320  }
0x23: {  	[sflag:s13] =	ssyncset.done $0x0  }
0x24: {  	[sflag:s13] =	ssyncadd.s32 $0xFFFFFCE0  }
.LBB2_8:
0x25: {  	s17 =	sadd.s32 $0x1, s17  }
0x26: {  	p1 =	sne.s32 s17, s11  }
.Ltmp1:
0x27: {  	_ = 	snop;
	(pc) =	sbr.rel @!p1 .LBB2_9-.Ltmp1, $1  }
0x28: {  	_ =	sdelay $0x3  }
.LBB2_1:
0x29: {  	[tilespmem:s12], [sflag:$0x1] =	stream.linear.gather [hbm4b:s1+s4], $0x80, $0x38;
	[tilespmem:$0x2680] =	vst v63  }
0x2a: {  	_ =	swait.ge [sflag:s13], $0x80  }
0x2b: {  	[sflag:s13] =	ssyncset.done $0x0  }
.Ltmp2:
0x2c: {  	[sflag:s13] =	ssyncadd.s32 $0xFFFFFF80;
	(pc) =	sbr.rel @!p0 .LBB2_2-.Ltmp2, $4  }
0x2d: {  	[tilespmem:s14], [sflag:$0x1] =	stream.linear.gather [hbm4b:s2+s4], $0x80, $0x38;
	[tilespmem:$0x2680] =	vst v63  }
0x2e: {  	_ =	swait.ge [sflag:s13], $0x80  }
0x2f: {  	[sflag:s13] =	ssyncset.done $0x0  }
0x30: {  	s18 =	simm.s32 $0x0;
	[sflag:s13] =	ssyncadd.s32 $0xFFFFFF80  }
0x31: {  	[tilespmem:s18], [sflag:$0x1] =	stream.linear.gather [hbm4b:s8+s18], $0x320, $0x38;
	[tilespmem:$0x2680] =	vst v63  }
0x32: {  	_ =	swait.ge [sflag:s13], $0x320  }
0x33: {  	[sflag:s13] =	ssyncset.done $0x0  }
0x34: {  	s18 =	simm.s32 $0x0;
	[sflag:s13] =	ssyncadd.s32 $0xFFFFFCE0  }
0x35: {  	v1 =	vld [tilespmem:s18+$0x0];
	_ =	sdelay $0x7  }
0x36: {  	v0 =	vld.idx.msk [tilespmem:v1+s12+$0x0], $0xffff;
	_ =	sdelay $0x4  }
0x37: {  	[tilespmem:s18+$0xD80] =	vst v0;
	v0 =	vld [tilespmem:s18+$0x10];
	_ =	sdelay $0x1  }
0x38: {  	v1 =	vld.idx.msk [tilespmem:v1+s14+$0x0], $0xffff;
	_ =	sdelay $0x4  }
0x39: {  	[tilespmem:s18+$0x1A00] =	vst v1  }
0x3a: {  	v1 =	vld.idx.msk [tilespmem:v0+s12+$0x0], $0xffff;
	_ =	sdelay $0x3  }
0x3b: {  	s20 =	simm.s32 $0x20;
	s19 =	simm.s32 $0x100  }
.LBB2_6:
0x3c: {  	p1 =	sne.s32 s19, $0xC00;
	v2 =	vld [tilespmem:s20+$0x0];
	[tilespmem:s18+$0xD90] =	vst v1  }
0x3d: {  	v0 =	vld.idx.msk [tilespmem:v0+s14+$0x0], $0xffff;
	_ =	sdelay $0x5  }
0x3e: {  	[tilespmem:s18+$0x1A10] =	vst v0;
	s18 =	smov.u32 s20  }
0x3f: {  	v0 =	vld.idx.msk [tilespmem:v2+s12+$0x0], $0xffff;
	_ =	sdelay $0x5  }
0x40: {  	[tilespmem:s18+$0xD80] =	vst v0;
	v0 =	vld [tilespmem:s18+$0x10]  }
0x41: {  	v1 =	vld.idx.msk [tilespmem:v2+s14+$0x0], $0xffff;
	_ =	sdelay $0x5  }
0x42: {  	[tilespmem:s18+$0x1A00] =	vst v1  }
0x43: {  	v1 =	vld.idx.msk [tilespmem:v0+s12+$0x0], $0xffff  }
.Ltmp3:
0x44: {  	(pc) =	sbr.rel @p1 .LBB2_6-.Ltmp3, $2  }
0x45: {  	_ =	sdelay $0x2  }
0x46: {  	s20 =	sshra.s32 s19, $0x2;
	s19 =	sadd.s32 $0x80, s19  }
.Ltmp4:
0x47: {  	_ = 	snop;
	(pc) =	sbr.rel .LBB2_7-.Ltmp4, $1  }
0x48: {  	_ =	sdelay $0x3  }
.LBB2_2:
0x49: {  	[tilespmem:s18], [sflag:$0x1] =	stream.linear.gather [hbm4b:s5+s18], $0xC80, $0x38;
	[tilespmem:$0x2680] =	vst v63  }
0x4a: {  	_ =	swait.ge [sflag:s13], $0xC80  }
0x4b: {  	[sflag:s13] =	ssyncset.done $0x0  }
0x4c: {  	s18 =	simm.s32 $0x0;
	[sflag:s13] =	ssyncadd.s32 $0xFFFFF380  }
0x4d: {  	v1 =	vld [tilespmem:s18+$0x0];
	_ =	sdelay $0x7  }
0x4e: {  	v0 =	vld.idx.msk [tilespmem:v1+s12+$0x0], $0xffff;
	_ =	sdelay $0x4  }
0x4f: {  	[tilespmem:s18+$0xD80] =	vst v0;
	v0 =	vld [tilespmem:s18+$0x10];
	_ =	sdelay $0x1  }
0x50: {  	v1 =	vld.idx.msk [tilespmem:v1+s14+$0x0], $0xffff;
	_ =	sdelay $0x4  }
0x51: {  	[tilespmem:s18+$0x1A00] =	vst v1  }
0x52: {  	v1 =	vld.idx.msk [tilespmem:v0+s12+$0x0], $0xffff;
	_ =	sdelay $0x3  }
0x53: {  	s20 =	simm.s32 $0x20;
	s19 =	simm.s32 $0x100  }
.LBB2_3:
0x54: {  	p1 =	sne.s32 s19, $0x3180;
	v2 =	vld [tilespmem:s20+$0x0];
	[tilespmem:s18+$0xD90] =	vst v1  }
0x55: {  	v0 =	vld.idx.msk [tilespmem:v0+s14+$0x0], $0xffff;
	_ =	sdelay $0x5  }
0x56: {  	[tilespmem:s18+$0x1A10] =	vst v0;
	s18 =	smov.u32 s20  }
0x57: {  	v0 =	vld.idx.msk [tilespmem:v2+s12+$0x0], $0xffff;
	_ =	sdelay $0x5  }
0x58: {  	[tilespmem:s18+$0xD80] =	vst v0;
	v0 =	vld [tilespmem:s18+$0x10]  }
0x59: {  	v1 =	vld.idx.msk [tilespmem:v2+s14+$0x0], $0xffff;
	_ =	sdelay $0x5  }
0x5a: {  	[tilespmem:s18+$0x1A00] =	vst v1  }
0x5b: {  	v1 =	vld.idx.msk [tilespmem:v0+s12+$0x0], $0xffff  }
.Ltmp5:
0x5c: {  	(pc) =	sbr.rel @p1 .LBB2_3-.Ltmp5, $2  }
0x5d: {  	_ =	sdelay $0x2  }
0x5e: {  	s20 =	sshra.s32 s19, $0x2;
	s19 =	sadd.s32 $0x80, s19  }
0x5f: {  	_ =	sdelay $0x1  }
0x60: {  	v2 =	vld [tilespmem:s20+$0x0]  }
0x61: {  	[tilespmem:s18+$0xD90] =	vst v1  }
0x62: {  	v0 =	vld.idx.msk [tilespmem:v0+s14+$0x0], $0xffff;
	_ =	sdelay $0x4  }
0x63: {  	[tilespmem:s18+$0x1A10] =	vst v0  }
0x64: {  	v0 =	vld.idx.msk [tilespmem:v2+s12+$0x0], $0xffff;
	_ =	sdelay $0x3  }
0x65: {  	v63 =	vld [tilespmem:s20+$0x10]  }
0x66: {  	[tilespmem:s20+$0xD80] =	vst v0  }
0x67: {  	v1 =	vld.idx.msk [tilespmem:v2+s14+$0x0], $0xffff;
	_ =	sdelay $0x4  }
0x68: {  	[tilespmem:s20+$0x1A00] =	vst v1  }
0x69: {  	v1 =	vld.idx.msk [tilespmem:v63+s12+$0x0], $0xffff;
	_ =	sdelay $0x4  }
0x6a: {  	[tilespmem:s20+$0xD90] =	vst v1  }
0x6b: {  	v0 =	vld.idx.msk [tilespmem:v63+s14+$0x0], $0xffff;
	_ =	sdelay $0x4  }
0x6c: {  	[tilespmem:s20+$0x1A10] =	vst v0  }
0x6d: {  	[hbm4b:s6+s4] =	stream.linear.scatter [tilespmem:s15], [sflag:$0x1], $0xC80, $0x38;
	[tilespmem:$0x2680] =	vst v63  }
0x6e: {  	_ =	swait.ge [sflag:s13], $0xC80  }
0x6f: {  	[sflag:s13] =	ssyncset.done $0x0  }
.Ltmp6:
0x70: {  	[sflag:s13] =	ssyncadd.s32 $0xFFFFF380;
	(pc) =	sbr.rel .LBB2_8-.Ltmp6, $4  }
0x71: {  	[hbm4b:s7+s4] =	stream.linear.scatter [tilespmem:s16], [sflag:$0x1], $0xC80, $0x38;
	[tilespmem:$0x2680] =	vst v63  }
0x72: {  	_ =	swait.ge [sflag:s13], $0xC80  }
0x73: {  	[sflag:s13] =	ssyncset.done $0x0  }
0x74: {  	[sflag:s13] =	ssyncadd.s32 $0xFFFFF380  }
.LBB2_9:
0x75: {  	_ =	sfence.sel $0x180000  }
0x76: {  	[bflag:$0x0] =	sbarrier.arrive $0xFFFF  }
0x77: {  	p0 =	sne.s32 s0, $0x0;
	_ =	strace $0x90000047  }
0x78: {  	s0 =	sadd.s32 @!p0 $0x100000, s3;
	[bflag:$0x2] =	sbarrier.arrive $0xFFFF  }
0x79: {  	[sflag:s0] =	ssyncadd.tile.s32 @!p0 $0x1;
	_ =	shalt  }
.Lfunc_end2:
_tile_overlayer_lowered:
.L_overlay_start_2:
0x7a: {  	(tag) =	ssettag $0x2  }
0x7b: {  	s0 =	rddreg [dreg:$0x0];
	s2 =	stileid.u32  }
0x7c: {  	s1 =	rddreg [dreg:$0x1];
	p0 =	sne.s32 s2, $0x0  }
0x7d: {  	s3 =	rddreg [dreg:$0x2];
	[bflag:$0x3] =	sbarrier.arrive $0xFFFF;
	s2 =	simm.s32 @!p0 $0x1C01  }
0x7e: {  	[timem:s3], [sflag:s2] =	dma.local @!p0 [hbm:s0], s1  }
0x7f: {  	s0 =	simm.s32 @!p0 $0x1  }
0x80: {  	_ =	swait.ge @!p0 [sflag:s0], s1  }
0x81: {  	s1 =	ssub.s32 @!p0 $0x0, s1;
	[sflag:s0] =	ssyncset.done @!p0 $0x0  }
0x82: {  	[sflag:s0] =	ssyncadd.s32 @!p0 s1  }
0x83: {  	[bflag:$0x3] =	sbarrier.arrive $0xFFFF  }
0x84: {  	_ =	shalt  }

</sc_bundles>
